<compile_context>
chip_gen: v7x
topology: tpu7x:2x2x1
jax: 0.10.2.dev20260603
libtpu: 0.0.44.dev20260713+nightly
codegen_flags: <defaults>
</compile_context>

<pallas_src>
import jax
import jax.numpy as jnp
from jax.experimental import pallas as pl
from jax.experimental.pallas import tpu as pltpu

G = 10
NODES = G * G
RPB = NODES // 2
PERIOD = 200
NEG = -1e30


def _mpnn_block(x_ref, w1_ref, ua_ref, w2_ref, ub_ref, u2_ref, m_ref,
                bias_ref, dconst_ref, c2_ref, gamma_ref, beta_ref, o_ref,
                ys_ref, ts_ref):
    xb = x_ref[...]
    RV, L = xb.shape
    RC = RV // PERIOD
    H = L // 2
    HALO = 8

    y = jnp.dot(xb, w1_ref[...], preferred_element_type=jnp.float32)
    p = jnp.dot(xb, ua_ref[...], preferred_element_type=jnp.float32)

    t = jnp.roll(y, H, axis=1)
    zero8 = jnp.zeros((HALO, L), dtype=jnp.float32)
    for ref, v in ((ys_ref, y), (ts_ref, t)):
        ref[pl.ds(0, HALO), :] = zero8
        ref[pl.ds(HALO, RV), :] = v
        ref[pl.ds(HALO + RV, HALO), :] = zero8
    lmask = jax.lax.broadcasted_iota(jnp.int32, (1, L), 1) < H
    shifted = (
        ys_ref[pl.ds(HALO - G // 2, RV), :],
        ys_ref[pl.ds(HALO + G // 2, RV), :],
        jnp.where(lmask, ts_ref[pl.ds(HALO - 1, RV), :], t),
        jnp.where(lmask, t, ts_ref[pl.ds(HALO + 1, RV), :]),
    )
    hs = jnp.zeros((RC, PERIOD, L), dtype=jnp.float32)
    for k, s in enumerate(shifted):
        hs = hs + jnp.maximum(s.reshape(RC, PERIOD, L) + bias_ref[k], 0.0)
    hs = hs.reshape(RV, L)

    wf = jnp.dot(w2_ref[...], ub_ref[...], preferred_element_type=jnp.float32)
    g = jnp.dot(hs, wf, preferred_element_type=jnp.float32)

    u = jnp.maximum(
        ((p + g).reshape(RC, PERIOD, L) + dconst_ref[...]).reshape(RV, L), 0.0)
    upd = jnp.dot(u, u2_ref[...], preferred_element_type=jnp.float32) + c2_ref[...]

    z = xb + upd
    mu = jnp.dot(z, m_ref[...], preferred_element_type=jnp.float32)
    ms = jnp.dot(z * z, m_ref[...], preferred_element_type=jnp.float32)
    var = ms - mu * mu
    o_ref[...] = (gamma_ref[...] * (z - mu) * jax.lax.rsqrt(var + 1e-5)
                  + beta_ref[...])


def kernel(x, src_idx, dst_idx, edge_dir, W1, b1, W2, b2, U1, c1, U2, c2,
           gamma, beta, interpret=False):
    B, N, H = x.shape
    L = 2 * H
    xv = x.reshape(B * N // 2, L)

    BB = 64
    RV = BB * RPB
    grid = (B * N // 2) // RV

    def dg(a):
        z = jnp.zeros((L, L), dtype=a.dtype)
        return z.at[:H, :H].set(a).at[H:, H:].set(a)

    n = jnp.arange(NODES)
    r, c = n // G, n % G
    wed = W1[:, H]
    valids = ((r >= 1), (r <= G - 2), (c >= 1), (c <= G - 2))
    bias = jnp.stack([
        jnp.where(v[:, None], b1[None, :] + d * wed[None, :], NEG)
        for d, v in enumerate(valids)])
    bias = jnp.tile(bias.reshape(4, RPB, L), (1, PERIOD // RPB, 1))

    deg = sum(v.astype(jnp.float32) for v in valids)[:, None]
    b2u = b2 @ U1[:, H:].T
    dconst = jnp.tile((deg * b2u[None, :] + c1[None, :]).reshape(RPB, L),
                      (PERIOD // RPB, 1))

    pair = lambda v: jnp.concatenate([v, v]).reshape(1, L)
    full = lambda a: pl.BlockSpec(a.shape, lambda i: (0,) * a.ndim)
    mavg = dg(jnp.full((H, H), 1.0 / H, dtype=x.dtype))
    operands = (dg(W1[:, :H].T), dg(U1[:, :H].T), dg(W2.T), dg(U1[:, H:].T),
                dg(U2.T), mavg, bias, dconst, pair(c2), pair(gamma),
                pair(beta))

    out = pl.pallas_call(
        _mpnn_block,
        grid=(grid,),
        in_specs=[pl.BlockSpec((RV, L), lambda i: (i, 0))]
                 + [full(a) for a in operands],
        out_specs=pl.BlockSpec((RV, L), lambda i: (i, 0)),
        out_shape=jax.ShapeDtypeStruct((B * N // 2, L), x.dtype),
        scratch_shapes=[pltpu.VMEM((RV + 16, L), jnp.float32),
                        pltpu.VMEM((RV + 16, L), jnp.float32)],
        interpret=interpret,
    )(xv, *operands)
    return out.reshape(B, N, H)

# --- scband reference (transcript-rebuilt; emitter-appended) ---
"""Pipeline reference for scband-grid-mpnnlayer-28879360098366 (READ-ONLY COPY).

The authoritative reference and input builder live on the scoring server;
editing this copy changes nothing except your own understanding.
"""

import jax, jax.numpy as jnp
import numpy as np

GRID = 10

def _grid_edges(g=GRID):
    src = []; dst = []; dirs = []
    for r in range(g):
        for c in range(g):
            i = r * g + c
            for d, (dr, dc) in enumerate([(-1, 0), (1, 0), (0, -1), (0, 1)]):
                rr, cc = r + dr, c + dc
                if 0 <= rr < g and 0 <= cc < g:
                    src.append(rr * g + cc)
                    dst.append(i)
                    dirs.append(float(d))
    return (np.asarray(src, np.int64), np.asarray(dst, np.int64),
            np.asarray(dirs, np.float32).reshape(-1, 1))

def setup_inputs(seed: int = 0) -> dict:
    key = jax.random.key(seed)
    B, N, H, ED = 2048, 100, 64, 1
    ks = jax.random.split(key, 8)
    src, dst, edir = _grid_edges()
    s = 0.05
    inp = {}
    inp["x"] = jax.random.normal(ks[0], (B, N, H), dtype=jnp.float32)
    inp["src_idx"] = jnp.asarray(src)
    inp["dst_idx"] = jnp.asarray(dst)
    inp["edge_dir"] = jnp.asarray(edir)
    inp["W1"] = jax.random.normal(ks[1], (H, H + ED), dtype=jnp.float32) * s
    inp["b1"] = jnp.zeros((H,), dtype=jnp.float32)
    inp["W2"] = jax.random.normal(ks[2], (H, H), dtype=jnp.float32) * s
    inp["b2"] = jnp.zeros((H,), dtype=jnp.float32)
    inp["U1"] = jax.random.normal(ks[3], (H, 2 * H), dtype=jnp.float32) * s
    inp["c1"] = jnp.zeros((H,), dtype=jnp.float32)
    inp["U2"] = jax.random.normal(ks[4], (H, H), dtype=jnp.float32) * s
    inp["c2"] = jnp.zeros((H,), dtype=jnp.float32)
    inp["gamma"] = jnp.ones((H,), dtype=jnp.float32)
    inp["beta"] = jnp.zeros((H,), dtype=jnp.float32)
    return inp

def _layer_norm(y, gamma, beta, eps=1e-5):
    mu = jnp.mean(y, axis=-1, keepdims=True)
    var = jnp.mean((y - mu) ** 2, axis=-1, keepdims=True)
    return gamma * (y - mu) / jnp.sqrt(var + eps) + beta

def reference(x, src_idx, dst_idx, edge_dir, W1, b1, W2, b2, U1, c1, U2, c2, gamma, beta):
    B, N, H = x.shape
    E = src_idx.shape[0]
    # gather source node states along edges
    x_src = x[:, src_idx, :]                                   # (B, E, H)
    ef = jnp.broadcast_to(edge_dir[None, :, :], (B, E, edge_dir.shape[-1]))
    msg_in = jnp.concatenate([x_src, ef], axis=-1)             # (B, E, H+ED)
    h = jax.nn.relu(msg_in @ W1.T + b1)
    messages = h @ W2.T + b2                                   # (B, E, H)
    # scatter-add aggregation onto destination nodes
    agg = jnp.zeros((B, N, H), dtype=x.dtype).at[:, dst_idx, :].add(messages)
    upd_in = jnp.concatenate([x, agg], axis=-1)                # (B, N, 2H)
    u = jax.nn.relu(upd_in @ U1.T + c1)
    upd = u @ U2.T + c2
    return _layer_norm(x + upd, gamma, beta)

if __name__ == "__main__":
    import jax
    _d = setup_inputs()
    print(jax.jit(kernel)(*tuple(_d.values())))

</pallas_src>

<mosaic_0001>
module attributes {stable_mosaic.version = 14 : i64} {
  func.func @_mpnn_block(%arg0: i32, %arg1: memref<3200x128xf32, #tpu.memory_space<vmem>>, %arg2: memref<128x128xf32, #tpu.memory_space<vmem>>, %arg3: memref<128x128xf32, #tpu.memory_space<vmem>>, %arg4: memref<128x128xf32, #tpu.memory_space<vmem>>, %arg5: memref<128x128xf32, #tpu.memory_space<vmem>>, %arg6: memref<128x128xf32, #tpu.memory_space<vmem>>, %arg7: memref<128x128xf32, #tpu.memory_space<vmem>>, %arg8: memref<4x200x128xf32, #tpu.memory_space<vmem>>, %arg9: memref<200x128xf32, #tpu.memory_space<vmem>>, %arg10: memref<1x128xf32, #tpu.memory_space<vmem>>, %arg11: memref<1x128xf32, #tpu.memory_space<vmem>>, %arg12: memref<1x128xf32, #tpu.memory_space<vmem>>, %arg13: memref<3200x128xf32, #tpu.memory_space<vmem>>, %arg14: memref<3216x128xf32, #tpu.memory_space<vmem>>, %arg15: memref<3216x128xf32, #tpu.memory_space<vmem>>) attributes {dimension_semantics = [#tpu.dimension_semantics<arbitrary>], iteration_bounds = array<i64: 32>, scalar_prefetch = 0 : i64, scratch_operands = 2 : i64, tpu.core_type = #tpu.core_type<tc>, window_params = [{transform_indices = @transform_0, window_bounds = array<i64: 3200, 128>}, {pipeline_mode = #tpu.pipeline_mode<synchronous>, transform_indices = @transform_1, window_bounds = array<i64: 128, 128>}, {pipeline_mode = #tpu.pipeline_mode<synchronous>, transform_indices = @transform_2, window_bounds = array<i64: 128, 128>}, {pipeline_mode = #tpu.pipeline_mode<synchronous>, transform_indices = @transform_3, window_bounds = array<i64: 128, 128>}, {pipeline_mode = #tpu.pipeline_mode<synchronous>, transform_indices = @transform_4, window_bounds = array<i64: 128, 128>}, {pipeline_mode = #tpu.pipeline_mode<synchronous>, transform_indices = @transform_5, window_bounds = array<i64: 128, 128>}, {pipeline_mode = #tpu.pipeline_mode<synchronous>, transform_indices = @transform_6, window_bounds = array<i64: 128, 128>}, {pipeline_mode = #tpu.pipeline_mode<synchronous>, transform_indices = @transform_7, window_bounds = array<i64: 4, 200, 128>}, {pipeline_mode = #tpu.pipeline_mode<synchronous>, transform_indices = @transform_8, window_bounds = array<i64: 200, 128>}, {pipeline_mode = #tpu.pipeline_mode<synchronous>, transform_indices = @transform_9, window_bounds = array<i64: 1, 128>}, {pipeline_mode = #tpu.pipeline_mode<synchronous>, transform_indices = @transform_10, window_bounds = array<i64: 1, 128>}, {pipeline_mode = #tpu.pipeline_mode<synchronous>, transform_indices = @transform_11, window_bounds = array<i64: 1, 128>}, {transform_indices = @transform_12, window_bounds = array<i64: 3200, 128>}]} {
    %get3A = arith.constant 0 : index
    %get3A_0 = arith.constant 0 : index
    %get3A_1 = vector.load %arg1[%get3A, %get3A_0] : memref<3200x128xf32, #tpu.memory_space<vmem>>, vector<3200x128xf32>
    %get3A_2 = arith.constant 0 : index
    %get3A_3 = arith.constant 0 : index
    %get3A_4 = vector.load %arg2[%get3A_2, %get3A_3] : memref<128x128xf32, #tpu.memory_space<vmem>>, vector<128x128xf32>
    %dot_general3A = arith.constant dense<0.000000e+00> : vector<3200x128xf32>
    %dot_general3A_5 = tpu.matmul %get3A_1, %get3A_4, %dot_general3A {dimension_numbers = #tpu.dot_dimension_numbers<[1], [0], [0], [1], [0, 0, 1, 1], [], []>, transpose_lhs_hint = false} : vector<3200x128xf32>, vector<128x128xf32>, vector<3200x128xf32> -> vector<3200x128xf32>
    %get3A_6 = arith.constant 0 : index
    %get3A_7 = arith.constant 0 : index
    %get3A_8 = vector.load %arg3[%get3A_6, %get3A_7] : memref<128x128xf32, #tpu.memory_space<vmem>>, vector<128x128xf32>
    %dot_general3A_9 = arith.constant dense<0.000000e+00> : vector<3200x128xf32>
    %dot_general3A_10 = tpu.matmul %get3A_1, %get3A_8, %dot_general3A_9 {dimension_numbers = #tpu.dot_dimension_numbers<[1], [0], [0], [1], [0, 0, 1, 1], [], []>, transpose_lhs_hint = false} : vector<3200x128xf32>, vector<128x128xf32>, vector<3200x128xf32> -> vector<3200x128xf32>
    %slice3A = vector.extract_strided_slice %dot_general3A_5 {offsets = [0, 64], sizes = [3200, 64], strides = [1, 1]} : vector<3200x128xf32> to vector<3200x64xf32>
    %slice3A_11 = vector.extract_strided_slice %dot_general3A_5 {offsets = [0, 0], sizes = [3200, 64], strides = [1, 1]} : vector<3200x128xf32> to vector<3200x64xf32>
    %concatenate3A = tpu.concatenate %slice3A, %slice3A_11 in 1 : vector<3200x64xf32>, vector<3200x64xf32> -> vector<3200x128xf32>
    %broadcast_in_dim3A = arith.constant 0.000000e+00 : f32
    %broadcast_in_dim3A_12 = vector.broadcast %broadcast_in_dim3A : f32 to vector<8x128xf32>
    %swap3A = arith.constant 0 : index
    %swap3A_13 = arith.constant 0 : index
    %swap3A_14 = vector.load %arg14[%swap3A, %swap3A_13] : memref<3216x128xf32, #tpu.memory_space<vmem>>, vector<8x128xf32>
    tpu.vector_store %arg14[%swap3A, %swap3A_13], %broadcast_in_dim3A_12 {strides = array<i32>} : memref<3216x128xf32, #tpu.memory_space<vmem>>, vector<8x128xf32>,
    %swap3A_15 = arith.constant 8 : index
    %swap3A_16 = arith.constant 0 : index
    %swap3A_17 = vector.load %arg14[%swap3A_15, %swap3A_16] : memref<3216x128xf32, #tpu.memory_space<vmem>>, vector<3200x128xf32>
    tpu.vector_store %arg14[%swap3A_15, %swap3A_16], %dot_general3A_5 {strides = array<i32>} : memref<3216x128xf32, #tpu.memory_space<vmem>>, vector<3200x128xf32>,
    %swap3A_18 = arith.constant 3208 : index
    %swap3A_19 = arith.constant 0 : index
    %swap3A_20 = vector.load %arg14[%swap3A_18, %swap3A_19] : memref<3216x128xf32, #tpu.memory_space<vmem>>, vector<8x128xf32>
    tpu.vector_store %arg14[%swap3A_18, %swap3A_19], %broadcast_in_dim3A_12 {strides = array<i32>} : memref<3216x128xf32, #tpu.memory_space<vmem>>, vector<8x128xf32>,
    %swap3A_21 = arith.constant 0 : index
    %swap3A_22 = arith.constant 0 : index
    %swap3A_23 = vector.load %arg15[%swap3A_21, %swap3A_22] : memref<3216x128xf32, #tpu.memory_space<vmem>>, vector<8x128xf32>
    tpu.vector_store %arg15[%swap3A_21, %swap3A_22], %broadcast_in_dim3A_12 {strides = array<i32>} : memref<3216x128xf32, #tpu.memory_space<vmem>>, vector<8x128xf32>,
    %swap3A_24 = arith.constant 8 : index
    %swap3A_25 = arith.constant 0 : index
    %swap3A_26 = vector.load %arg15[%swap3A_24, %swap3A_25] : memref<3216x128xf32, #tpu.memory_space<vmem>>, vector<3200x128xf32>
    tpu.vector_store %arg15[%swap3A_24, %swap3A_25], %concatenate3A {strides = array<i32>} : memref<3216x128xf32, #tpu.memory_space<vmem>>, vector<3200x128xf32>,
    %swap3A_27 = arith.constant 3208 : index
    %swap3A_28 = arith.constant 0 : index
    %swap3A_29 = vector.load %arg15[%swap3A_27, %swap3A_28] : memref<3216x128xf32, #tpu.memory_space<vmem>>, vector<8x128xf32>
    tpu.vector_store %arg15[%swap3A_27, %swap3A_28], %broadcast_in_dim3A_12 {strides = array<i32>} : memref<3216x128xf32, #tpu.memory_space<vmem>>, vector<8x128xf32>,
    %iota3A = tpu.iota {dimensions = array<i32: 1>} : vector<1x128xi32>
    %lt3A = arith.constant 64 : i32
    %lt3A_30 = vector.broadcast %lt3A : i32 to vector<1x128xi32>
    %lt3A_31 = arith.cmpi slt, %iota3A, %lt3A_30 : vector<1x128xi32>
    %get3A_32 = arith.constant 3 : index
    %get3A_33 = arith.constant 0 : index
    %get3A_34 = vector.load %arg14[%get3A_32, %get3A_33] : memref<3216x128xf32, #tpu.memory_space<vmem>>, vector<3200x128xf32>
    %get3A_35 = arith.constant 13 : index
    %get3A_36 = arith.constant 0 : index
    %get3A_37 = vector.load %arg14[%get3A_35, %get3A_36] : memref<3216x128xf32, #tpu.memory_space<vmem>>, vector<3200x128xf32>
    %get3A_38 = arith.constant 7 : index
    %get3A_39 = arith.constant 0 : index
    %get3A_40 = vector.load %arg15[%get3A_38, %get3A_39] : memref<3216x128xf32, #tpu.memory_space<vmem>>, vector<3200x128xf32>
    %broadcast_in_dim3A_41 = vector.shape_cast %lt3A_31 : vector<1x128xi1> to vector<1x128xi1>
    %broadcast_in_dim3A_42 = vector.broadcast %broadcast_in_dim3A_41 : vector<1x128xi1> to vector<3200x128xi1>
    %select_n3A = arith.select %broadcast_in_dim3A_42, %get3A_40, %concatenate3A : vector<3200x128xi1>, vector<3200x128xf32>
    %get3A_43 = arith.constant 9 : index
    %get3A_44 = arith.constant 0 : index
    %get3A_45 = vector.load %arg15[%get3A_43, %get3A_44] : memref<3216x128xf32, #tpu.memory_space<vmem>>, vector<3200x128xf32>
    %broadcast_in_dim3A_46 = vector.shape_cast %lt3A_31 : vector<1x128xi1> to vector<1x128xi1>
    %broadcast_in_dim3A_47 = vector.broadcast %broadcast_in_dim3A_46 : vector<1x128xi1> to vector<3200x128xi1>
    %select_n3A_48 = arith.select %broadcast_in_dim3A_47, %concatenate3A, %get3A_45 : vector<3200x128xi1>, vector<3200x128xf32>
    %broadcast_in_dim3A_49 = arith.constant 0.000000e+00 : f32
    %broadcast_in_dim3A_50 = vector.broadcast %broadcast_in_dim3A_49 : f32 to vector<16x200x128xf32>
    %reshape3A = vector.shape_cast %get3A_34 : vector<3200x128xf32> to vector<16x200x128xf32>
    %get3A_51 = arith.constant 0 : index
    %get3A_52 = arith.constant 0 : index
    %get3A_53 = arith.constant 0 : index
    %get3A_54 = vector.load %arg8[%get3A_51, %get3A_52, %get3A_53] : memref<4x200x128xf32, #tpu.memory_space<vmem>>, vector<1x200x128xf32>
    %get3A_55 = vector.shape_cast %get3A_54 : vector<1x200x128xf32> to vector<200x128xf32>
    %broadcast_in_dim3A_56 = vector.shape_cast %get3A_55 : vector<200x128xf32> to vector<1x200x128xf32>
    %add3A = vector.broadcast %broadcast_in_dim3A_56 : vector<1x200x128xf32> to vector<16x200x128xf32>
    %add3A_57 = arith.addf %reshape3A, %add3A : vector<16x200x128xf32>
    %max3A = arith.constant 0.000000e+00 : f32
    %max3A_58 = vector.broadcast %max3A : f32 to vector<16x200x128xf32>
    %max3A_59 = arith.maximumf %add3A_57, %max3A_58 : vector<16x200x128xf32>
    %add3A_60 = arith.addf %broadcast_in_dim3A_50, %max3A_59 : vector<16x200x128xf32>
    %reshape3A_61 = vector.shape_cast %get3A_37 : vector<3200x128xf32> to vector<16x200x128xf32>
    %get3A_62 = arith.constant 1 : index
    %get3A_63 = arith.constant 0 : index
    %get3A_64 = arith.constant 0 : index
    %get3A_65 = vector.load %arg8[%get3A_62, %get3A_63, %get3A_64] : memref<4x200x128xf32, #tpu.memory_space<vmem>>, vector<1x200x128xf32>
    %get3A_66 = vector.shape_cast %get3A_65 : vector<1x200x128xf32> to vector<200x128xf32>
    %broadcast_in_dim3A_67 = vector.shape_cast %get3A_66 : vector<200x128xf32> to vector<1x200x128xf32>
    %add3A_68 = vector.broadcast %broadcast_in_dim3A_67 : vector<1x200x128xf32> to vector<16x200x128xf32>
    %add3A_69 = arith.addf %reshape3A_61, %add3A_68 : vector<16x200x128xf32>
    %max3A_70 = arith.constant 0.000000e+00 : f32
    %max3A_71 = vector.broadcast %max3A_70 : f32 to vector<16x200x128xf32>
    %max3A_72 = arith.maximumf %add3A_69, %max3A_71 : vector<16x200x128xf32>
    %add3A_73 = arith.addf %add3A_60, %max3A_72 : vector<16x200x128xf32>
    %reshape3A_74 = vector.shape_cast %select_n3A : vector<3200x128xf32> to vector<16x200x128xf32>
    %get3A_75 = arith.constant 2 : index
    %get3A_76 = arith.constant 0 : index
    %get3A_77 = arith.constant 0 : index
    %get3A_78 = vector.load %arg8[%get3A_75, %get3A_76, %get3A_77] : memref<4x200x128xf32, #tpu.memory_space<vmem>>, vector<1x200x128xf32>
    %get3A_79 = vector.shape_cast %get3A_78 : vector<1x200x128xf32> to vector<200x128xf32>
    %broadcast_in_dim3A_80 = vector.shape_cast %get3A_79 : vector<200x128xf32> to vector<1x200x128xf32>
    %add3A_81 = vector.broadcast %broadcast_in_dim3A_80 : vector<1x200x128xf32> to vector<16x200x128xf32>
    %add3A_82 = arith.addf %reshape3A_74, %add3A_81 : vector<16x200x128xf32>
    %max3A_83 = arith.constant 0.000000e+00 : f32
    %max3A_84 = vector.broadcast %max3A_83 : f32 to vector<16x200x128xf32>
    %max3A_85 = arith.maximumf %add3A_82, %max3A_84 : vector<16x200x128xf32>
    %add3A_86 = arith.addf %add3A_73, %max3A_85 : vector<16x200x128xf32>
    %reshape3A_87 = vector.shape_cast %select_n3A_48 : vector<3200x128xf32> to vector<16x200x128xf32>
    %get3A_88 = arith.constant 3 : index
    %get3A_89 = arith.constant 0 : index
    %get3A_90 = arith.constant 0 : index
    %get3A_91 = vector.load %arg8[%get3A_88, %get3A_89, %get3A_90] : memref<4x200x128xf32, #tpu.memory_space<vmem>>, vector<1x200x128xf32>
    %get3A_92 = vector.shape_cast %get3A_91 : vector<1x200x128xf32> to vector<200x128xf32>
    %broadcast_in_dim3A_93 = vector.shape_cast %get3A_92 : vector<200x128xf32> to vector<1x200x128xf32>
    %add3A_94 = vector.broadcast %broadcast_in_dim3A_93 : vector<1x200x128xf32> to vector<16x200x128xf32>
    %add3A_95 = arith.addf %reshape3A_87, %add3A_94 : vector<16x200x128xf32>
    %max3A_96 = arith.constant 0.000000e+00 : f32
    %max3A_97 = vector.broadcast %max3A_96 : f32 to vector<16x200x128xf32>
    %max3A_98 = arith.maximumf %add3A_95, %max3A_97 : vector<16x200x128xf32>
    %add3A_99 = arith.addf %add3A_86, %max3A_98 : vector<16x200x128xf32>
    %reshape3A_100 = vector.shape_cast %add3A_99 : vector<16x200x128xf32> to vector<3200x128xf32>
    %get3A_101 = arith.constant 0 : index
    %get3A_102 = arith.constant 0 : index
    %get3A_103 = vector.load %arg4[%get3A_101, %get3A_102] : memref<128x128xf32, #tpu.memory_space<vmem>>, vector<128x128xf32>
    %get3A_104 = arith.constant 0 : index
    %get3A_105 = arith.constant 0 : index
    %get3A_106 = vector.load %arg5[%get3A_104, %get3A_105] : memref<128x128xf32, #tpu.memory_space<vmem>>, vector<128x128xf32>
    %dot_general3A_107 = arith.constant dense<0.000000e+00> : vector<128x128xf32>
    %dot_general3A_108 = tpu.matmul %get3A_103, %get3A_106, %dot_general3A_107 {dimension_numbers = #tpu.dot_dimension_numbers<[1], [0], [0], [1], [0, 0, 1, 1], [], []>, transpose_lhs_hint = false} : vector<128x128xf32>, vector<128x128xf32>, vector<128x128xf32> -> vector<128x128xf32>
    %dot_general3A_109 = arith.constant dense<0.000000e+00> : vector<3200x128xf32>
    %dot_general3A_110 = tpu.matmul %reshape3A_100, %dot_general3A_108, %dot_general3A_109 {dimension_numbers = #tpu.dot_dimension_numbers<[1], [0], [0], [1], [0, 0, 1, 1], [], []>, transpose_lhs_hint = false} : vector<3200x128xf32>, vector<128x128xf32>, vector<3200x128xf32> -> vector<3200x128xf32>
    %add3A_111 = arith.addf %dot_general3A_10, %dot_general3A_110 : vector<3200x128xf32>
    %reshape3A_112 = vector.shape_cast %add3A_111 : vector<3200x128xf32> to vector<16x200x128xf32>
    %get3A_113 = arith.constant 0 : index
    %get3A_114 = arith.constant 0 : index
    %get3A_115 = vector.load %arg9[%get3A_113, %get3A_114] : memref<200x128xf32, #tpu.memory_space<vmem>>, vector<200x128xf32>
    %broadcast_in_dim3A_116 = vector.shape_cast %get3A_115 : vector<200x128xf32> to vector<1x200x128xf32>
    %add3A_117 = vector.broadcast %broadcast_in_dim3A_116 : vector<1x200x128xf32> to vector<16x200x128xf32>
    %add3A_118 = arith.addf %reshape3A_112, %add3A_117 : vector<16x200x128xf32>
    %reshape3A_119 = vector.shape_cast %add3A_118 : vector<16x200x128xf32> to vector<3200x128xf32>
    %max3A_120 = arith.constant 0.000000e+00 : f32
    %max3A_121 = vector.broadcast %max3A_120 : f32 to vector<3200x128xf32>
    %max3A_122 = arith.maximumf %reshape3A_119, %max3A_121 : vector<3200x128xf32>
    %get3A_123 = arith.constant 0 : index
    %get3A_124 = arith.constant 0 : index
    %get3A_125 = vector.load %arg6[%get3A_123, %get3A_124] : memref<128x128xf32, #tpu.memory_space<vmem>>, vector<128x128xf32>
    %dot_general3A_126 = arith.constant dense<0.000000e+00> : vector<3200x128xf32>
    %dot_general3A_127 = tpu.matmul %max3A_122, %get3A_125, %dot_general3A_126 {dimension_numbers = #tpu.dot_dimension_numbers<[1], [0], [0], [1], [0, 0, 1, 1], [], []>, transpose_lhs_hint = false} : vector<3200x128xf32>, vector<128x128xf32>, vector<3200x128xf32> -> vector<3200x128xf32>
    %get3A_128 = arith.constant 0 : index
    %get3A_129 = arith.constant 0 : index
    %get3A_130 = vector.load %arg10[%get3A_128, %get3A_129] : memref<1x128xf32, #tpu.memory_space<vmem>>, vector<1x128xf32>
    %add3A_131 = vector.broadcast %get3A_130 : vector<1x128xf32> to vector<3200x128xf32>
    %add3A_132 = arith.addf %dot_general3A_127, %add3A_131 : vector<3200x128xf32>
    %add3A_133 = arith.addf %get3A_1, %add3A_132 : vector<3200x128xf32>
    %get3A_134 = arith.constant 0 : index
    %get3A_135 = arith.constant 0 : index
    %get3A_136 = vector.load %arg7[%get3A_134, %get3A_135] : memref<128x128xf32, #tpu.memory_space<vmem>>, vector<128x128xf32>
    %dot_general3A_137 = arith.constant dense<0.000000e+00> : vector<3200x128xf32>
    %dot_general3A_138 = tpu.matmul %add3A_133, %get3A_136, %dot_general3A_137 {dimension_numbers = #tpu.dot_dimension_numbers<[1], [0], [0], [1], [0, 0, 1, 1], [], []>, transpose_lhs_hint = false} : vector<3200x128xf32>, vector<128x128xf32>, vector<3200x128xf32> -> vector<3200x128xf32>
    %mul3A = arith.mulf %add3A_133, %add3A_133 : vector<3200x128xf32>
    %get3A_139 = arith.constant 0 : index
    %get3A_140 = arith.constant 0 : index
    %get3A_141 = vector.load %arg7[%get3A_139, %get3A_140] : memref<128x128xf32, #tpu.memory_space<vmem>>, vector<128x128xf32>
    %dot_general3A_142 = arith.constant dense<0.000000e+00> : vector<3200x128xf32>
    %dot_general3A_143 = tpu.matmul %mul3A, %get3A_141, %dot_general3A_142 {dimension_numbers = #tpu.dot_dimension_numbers<[1], [0], [0], [1], [0, 0, 1, 1], [], []>, transpose_lhs_hint = false} : vector<3200x128xf32>, vector<128x128xf32>, vector<3200x128xf32> -> vector<3200x128xf32>
    %mul3A_144 = arith.mulf %dot_general3A_138, %dot_general3A_138 : vector<3200x128xf32>
    %sub3A = arith.subf %dot_general3A_143, %mul3A_144 : vector<3200x128xf32>
    %get3A_145 = arith.constant 0 : index
    %get3A_146 = arith.constant 0 : index
    %get3A_147 = vector.load %arg11[%get3A_145, %get3A_146] : memref<1x128xf32, #tpu.memory_space<vmem>>, vector<1x128xf32>
    %sub3A_148 = arith.subf %add3A_133, %dot_general3A_138 : vector<3200x128xf32>
    %mul3A_149 = vector.broadcast %get3A_147 : vector<1x128xf32> to vector<3200x128xf32>
    %mul3A_150 = arith.mulf %mul3A_149, %sub3A_148 : vector<3200x128xf32>
    %add3A_151 = arith.constant 9.99999974E-6 : f32
    %add3A_152 = vector.broadcast %add3A_151 : f32 to vector<3200x128xf32>
    %add3A_153 = arith.addf %sub3A, %add3A_152 : vector<3200x128xf32>
    %rsqrt3A = math.rsqrt %add3A_153 : vector<3200x128xf32>
    %mul3A_154 = arith.mulf %mul3A_150, %rsqrt3A : vector<3200x128xf32>
    %get3A_155 = arith.constant 0 : index
    %get3A_156 = arith.constant 0 : index
    %get3A_157 = vector.load %arg12[%get3A_155, %get3A_156] : memref<1x128xf32, #tpu.memory_space<vmem>>, vector<1x128xf32>
    %add3A_158 = vector.broadcast %get3A_157 : vector<1x128xf32> to vector<3200x128xf32>
    %add3A_159 = arith.addf %mul3A_154, %add3A_158 : vector<3200x128xf32>
    %swap3A_160 = arith.constant 0 : index
    %swap3A_161 = arith.constant 0 : index
    %swap3A_162 = vector.load %arg13[%swap3A_160, %swap3A_161] : memref<3200x128xf32, #tpu.memory_space<vmem>>, vector<3200x128xf32>
    tpu.vector_store %arg13[%swap3A_160, %swap3A_161], %add3A_159 {strides = array<i32>} : memref<3200x128xf32, #tpu.memory_space<vmem>>, vector<3200x128xf32>,
    return
  }
  func.func @transform_0(%arg0: i32) -> (i32, i32) {
    %c0_i32 = arith.constant 0 : i32
    %c0_i32_0 = arith.constant 0 : i32
    return %arg0, %c0_i32 : i32, i32
  }
  func.func @transform_1(%arg0: i32) -> (i32, i32) {
    %c0_i32 = arith.constant 0 : i32
    %c0_i32_0 = arith.constant 0 : i32
    %c0_i32_1 = arith.constant 0 : i32
    return %c0_i32, %c0_i32_0 : i32, i32
  }
  func.func @transform_2(%arg0: i32) -> (i32, i32) {
    %c0_i32 = arith.constant 0 : i32
    %c0_i32_0 = arith.constant 0 : i32
    %c0_i32_1 = arith.constant 0 : i32
    return %c0_i32, %c0_i32_0 : i32, i32
  }
  func.func @transform_3(%arg0: i32) -> (i32, i32) {
    %c0_i32 = arith.constant 0 : i32
    %c0_i32_0 = arith.constant 0 : i32
    %c0_i32_1 = arith.constant 0 : i32
    return %c0_i32, %c0_i32_0 : i32, i32
  }
  func.func @transform_4(%arg0: i32) -> (i32, i32) {
    %c0_i32 = arith.constant 0 : i32
    %c0_i32_0 = arith.constant 0 : i32
    %c0_i32_1 = arith.constant 0 : i32
    return %c0_i32, %c0_i32_0 : i32, i32
  }
  func.func @transform_5(%arg0: i32) -> (i32, i32) {
    %c0_i32 = arith.constant 0 : i32
    %c0_i32_0 = arith.constant 0 : i32
    %c0_i32_1 = arith.constant 0 : i32
    return %c0_i32, %c0_i32_0 : i32, i32
  }
  func.func @transform_6(%arg0: i32) -> (i32, i32) {
    %c0_i32 = arith.constant 0 : i32
    %c0_i32_0 = arith.constant 0 : i32
    %c0_i32_1 = arith.constant 0 : i32
    return %c0_i32, %c0_i32_0 : i32, i32
  }
  func.func @transform_7(%arg0: i32) -> (i32, i32, i32) {
    %c0_i32 = arith.constant 0 : i32
    %c0_i32_0 = arith.constant 0 : i32
    %c0_i32_1 = arith.constant 0 : i32
    %c0_i32_2 = arith.constant 0 : i32
    return %c0_i32, %c0_i32_0, %c0_i32_1 : i32, i32, i32
  }
  func.func @transform_8(%arg0: i32) -> (i32, i32) {
    %c0_i32 = arith.constant 0 : i32
    %c0_i32_0 = arith.constant 0 : i32
    %c0_i32_1 = arith.constant 0 : i32
    return %c0_i32, %c0_i32_0 : i32, i32
  }
  func.func @transform_9(%arg0: i32) -> (i32, i32) {
    %c0_i32 = arith.constant 0 : i32
    %c0_i32_0 = arith.constant 0 : i32
    %c0_i32_1 = arith.constant 0 : i32
    return %c0_i32, %c0_i32_0 : i32, i32
  }
  func.func @transform_10(%arg0: i32) -> (i32, i32) {
    %c0_i32 = arith.constant 0 : i32
    %c0_i32_0 = arith.constant 0 : i32
    %c0_i32_1 = arith.constant 0 : i32
    return %c0_i32, %c0_i32_0 : i32, i32
  }
  func.func @transform_11(%arg0: i32) -> (i32, i32) {
    %c0_i32 = arith.constant 0 : i32
    %c0_i32_0 = arith.constant 0 : i32
    %c0_i32_1 = arith.constant 0 : i32
    return %c0_i32, %c0_i32_0 : i32, i32
  }
  func.func @transform_12(%arg0: i32) -> (i32, i32) {
    %c0_i32 = arith.constant 0 : i32
    %c0_i32_0 = arith.constant 0 : i32
    return %arg0, %c0_i32 : i32, i32
  }
}

</mosaic_0001>

<sc_bundles>
// kernel: sparse-core-data-format-call.cloned.1.call-start
scs
called_computation_lowered:
.L_overlay_start_0:
0x0: {  	s2 =	sld [smem:$0x3FD9]  }
0x1: {  	s3 =	sld [smem:$0x3FFE];
	_ =	sdelay $0x1  }
0x2: {  	s1 =	srdreg.scid  }
0x3: {  	s0 =	sand.u32 $0x1, s1  }
0x4: {  	s18 =	sshll.u32 s0, $0xA;
	s2 =	sadd.s32 s3, s2  }
0x5: {  	s2 =	sadd.s32 s2, s18  }
0x6: {  	[smem:$0x3FBD] =	sst s2  }
0x7: {  	_ = 	snop  }
0x8: {  	s2 =	sld [smem:$0x3FD0];
	(tm) =	ssettm $0x1  }
0x9: {  	s19 =	sld [smem:$0x3FFB];
	_ =	sdelay $0x3  }
0xa: {  	_ =	strace s19  }
0xb: {  	s3 =	sld [smem:$0x3FFC];
	_ =	sdelay $0x3  }
0xc: {  	_ =	strace s3  }
0xd: {  	s3 =	sld [smem:$0x3FFD];
	_ =	sdelay $0x3  }
0xe: {  	_ =	strace s3  }
0xf: {  	_ =	strace $0x8FFFFFFF  }
0x10: {  	s20 =	sld [smem:$0x3FDB];
	_ =	sdelay $0x1  }
0x11: {  	s4 =	simm.s32 $_scs_section_size  }
0x12: {  	s5 =	simm.s32 $_size__tile_overlayer_lowered;
	s6 =	simm.s32 $_tile_overlayer_lowered  }
0x13: {  	s23 =	simm.s32 $0x1BFF;
	s22 =	sshll.u32 s6, $0x1;
	s3 =	sadd.s32 s4, s20  }
0x14: {  	s7 =	simm.s32 $0x0;
	s21 =	sshll.u32 s5, $0x1;
	s5 =	sadd.s32 s22, s3  }
0x15: {  	[timem:s7], [sflag:s23] =	dma.local [hbm:s5], s21  }
0x16: {  	_ =	swait.ge [sflag:s23], s21  }
0x17: {  	s4 =	ssub.s32 $0x0, s21;
	[sflag:s23] =	ssyncset.done $0x0  }
0x18: {  	[sflag:s23] =	ssyncadd.s32 s4;
	_ =	sdelay $0x1  }
0x19: {  	s24 =	simm.s32 $0x1B8B  }
0x1a: {  	_ =	swait.ge [sflag:s24], $0x1  }
0x1b: {  	[sflag:s24] =	ssyncset.done $0x0  }
0x1c: {  	s26 =	simm.s32 $0x1B8E;
	s25 =	sld [smem:$0x3FFE];
	[sflag:s24] =	ssyncadd.s32 $0xFFFFFFFF  }
0x1d: {  	s27 =	simm.s32 $execute0_lowered;
	[smem:$0x3FD2] =	sst s26  }
0x1e: {  	s5 =	sshll.u32 s27, $0x1;
	_ =	strace $0x80000046;
	[dreg:$0x1] =	wrdreg $0xFFFFFFFF  }
0x1f: {  	s28 =	simm.s32 $_size_execute0_lowered;
	s3 =	sadd.s32 s3, s5;
	[dreg:$0x0] =	wrdreg $0x0  }
0x20: {  	s5 =	sshll.u32 s28, $0x1;
	[dreg:$0x2] =	wrdreg s3  }
0x21: {  	[dreg:$0x3] =	wrdreg s5  }
0x22: {  	[dreg:$0x4] =	wrdreg $0xC0  }
0x23: {  	_ =	task [dreg:s7], $0x5FFFF  }
0x24: {  	[dreg:$0x1] =	wrdreg $0xFFFFFFFF  }
0x25: {  	[dreg:$0x0] =	wrdreg $0x60  }
0x26: {  	[dreg:$0x2] =	wrdreg s25  }
0x27: {  	[dreg:$0x3] =	wrdreg s2  }
0x28: {  	[dreg:$0x4] =	wrdreg $0x9  }
0x29: {  	_ =	task.clear_ibuf [dreg:s7], $0x5FFFF;
	_ =	strace $0x90000046  }
0x2a: {  	s29 =	simm.s32 $0x9;
	_ =	strace $0x80000048  }
0x2b: {  	_ =	swait.ge [sflag:s29], $0x1  }
0x2c: {  	[sflag:s29] =	ssyncadd.s32 $0xFFFFFFFF  }
0x2d: {  	_ =	strace $0x90000048  }
0x2e: {  	_ =	sfence  }
0x2f: {  	s30 =	sld [smem:$0x0];
	_ =	sdelay $0x2  }
0x30: {  	s31 =	sshll.u32 s1, $0xD;
	s1 =	sshrl.u32 s1, $0x2  }
0x31: {  	s3 =	sand.u32 $0x4000, s31;
	s1 =	sadd.s32 s1, s30  }
0x32: {  	s0 =	sor.u32 s3, s0;
	s1 =	sshll.u32 s1, $0x11  }
0x33: {  	s0 =	sor.u32 s1, s0  }
0x34: {  	s0 =	sadd.s32 $0x8F2B, s0  }
0x35: {  	[sflag:s0] =	ssyncadd.remote.s32 $0x1  }
0x36: {  	_ =	sfence.sel $0xFFFF  }
0x37: {  	[dreg:$0x0] =	wrdreg $0xFFFFFFFF;
	(pc) =	sbr.abs _section_cstart, $3  }
0x38: {  	[dreg:$0x1] =	wrdreg $0xFFFFFFFF  }
0x39: {  	_ =	task.clear_ibuf [dreg:s7], $0x2FFFF;
	_ =	strace $0x9FFFFFFF  }
0x3a: {  	(tm) =	ssettm $0x7FFFFFFF  }
0x3b: {  	_ =	shalt  }
tec
execute0_lowered:
.L_overlay_start_1:
0x0: {  	(tag) =	ssettag $0x1  }
0x1: {  	s7 =	rddreg [dreg:$0x0]  }
0x2: {  	s0 =	stileid.u32;
	s2 =	rddreg [dreg:$0x1]  }
0x3: {  	s1 =	rddreg [dreg:$0x2];
	s4 =	srdreg.scid;
	_ =	strace $0x80000047  }
0x4: {  	s31 =	simm.s32 $0x2;
	s13 =	simm.s32 $0x0;
	s3 =	sshll.u32 s0, $0x7  }
0x5: {  	s14 =	simm.s32 $0x0;
	s4 =	sand.u32 $0x1, s4;
	s5 =	ssub.s32 $0x800, s3  }
0x6: {  	s12 =	simm.s32 $0x0;
	s8 =	ssub.s32 $0x64, s4;
	s6 =	sand.u32 $0x780, s5  }
0x7: {  	s9 =	sshrl.u32 s5, $0xB;
	p0 =	sne.s32 s6, $0x0;
	s6 =	simm.s32 $0x1  }
.Ltmp0:
0x8: {  	s10 =	sshrl.u32 s8, $0x1;
	s6 =	simm.s32 @!p0 $0x0;
	(pc) =	sbr.rel .LBB1_1-.Ltmp0, $4  }
0x9: {  	s5 =	simm.s32 $0x1;
	s8 =	ssub.s32 s8, s10;
	s6 =	sadd.s32 s6, s9  }
0xa: {  	s7 =	sadd.s32 $0x191E00, s7;
	[sflag:s5] =	ssyncpa.u1 $0x0;
	s6 =	smul.u32 s8, s6  }
0xb: {  	s11 =	smov.u32 s3;
	s10 =	smov.u32 s4;
	[sflag:s31] =	ssyncpa.u1 $0x0  }
0xc: {  	p0 =	por $0x0, $0x0;
	s9 =	simm.s32 $0x4000;
	s8 =	sadd.s32 $0x1, s6  }
.LBB1_4:
0xd: {  	s17 =	sshll.u32 s14, $0x3;
	s18 =	sand.u32 $0x78, s14  }
0xe: {  	s30 =	sand.u32 $0x3F00, s14;
	s13 =	sshll.u32 s13, $0xE;
	s17 =	sand.u32 $0x400, s17  }
0xf: {  	[tilespmem:s16+$0x810 ss:$0x81] =	vst.msk $0xffff, v2;
	s31 =	sand.u32 $0x7, s14;
	s17 =	sor.u32 s18, s17;
	s18 =	sadd.s32 s2, s30  }
0x10: {  	[tilespmem:s16+$0x1020 ss:$0x81] =	vst.msk $0xffff, v0;
	s14 =	sshll.u32 s31, $0x12;
	s13 =	sadd.s32 s13, s18;
	s17 =	sshrl.u32 s17, $0x3  }
0x11: {  	[tilespmem:s16+$0x0 ss:$0x81] =	vst.msk $0xffff, v1;
	s14 =	sor.u32 $0x400, s14;
	s13 =	sadd.s32 s17, s13  }
0x12: {  	[hbm4b:s13+s14] =	stream.strided.scatter [tilespmem:s15], [sflag:$0x2], $0x2000, s9, s14, $0x20;
	[tilespmem:$0x8080] =	vst v63  }
.LBB1_5:
0x13: {  	s15 =	sadd.s32 $0x2, s10  }
0x14: {  	s13 =	sadd.s32 $0x800, s11;
	s17 =	smov.u32 s11;
	p2 =	sgt.s32 s15, $0x63  }
0x15: {  	s17 =	smov.u32 @p2 s13  }
0x16: {  	s15 =	smov.u32 @p2 s4;
	p2 =	sgt.s32 s17, $0x7FF  }
0x17: {  	s17 =	smov.u32 @p2 s3;
	p2 =	sne.s32 s12, s8  }
.Ltmp1:
0x18: {  	p1 =	slt.u32 s12, $0x2;
	(pc) =	sbr.rel @!p2 .LBB1_6-.Ltmp1, $4  }
0x19: {  	s16 =	simm.s32 @!p1 $0x2  }
0x1a: {  	s14 =	smov.u32 s11;
	p0 =	por !p0, !p0;
	_ =	swait.ge @!p1 [sflag:s16], $0x2000  }
0x1b: {  	s13 =	smov.u32 s10;
	[sflag:s16] =	ssyncset.done @!p1 $0x0;
	s10 =	smov.u32 s15  }
0x1c: {  	s12 =	sadd.s32 $0x1, s12;
	[sflag:s16] =	ssyncadd.s32 @!p1 $0xFFFFE000;
	s11 =	smov.u32 s17  }
.LBB1_1:
0x1d: {  	p1 =	sge.u32 s12, s6  }
0x1e: {  	s15 =	sand.u32 @!p1 $0x1FFFFFF, s10  }
0x1f: {  	s16 =	smulhi.u32 @!p1 $0x2762763, s15;
	_ =	sdelay $0x1  }
0x20: {  	s16 =	smul.u32 @!p1 $0x68, s16  }
0x21: {  	s17 =	sxor.u32 @!p1 $0xFFFFFFFF, s12;
	s18 =	smul.u32 @!p1 $0x680, s11  }
0x22: {  	s31 =	sadd.s32 $0xFFFFFFFF, s12;
	s17 =	sshll.u32 @!p1 s17, $0xD;
	s15 =	ssub.s32 @!p1 s15, s16  }
0x23: {  	s16 =	sand.u32 @!p1 $0x2000, s17;
	s17 =	sadd.s32 @!p1 s7, s18;
	s15 =	sshll.u32 @!p1 s15, $0x4  }
0x24: {  	s18 =	simm.s32 @!p1 $0x3400;
	s15 =	sadd.s32 @!p1 s15, s17;
	s17 =	simm.s32 @!p1 $0x40  }
0x25: {  	[tilespmem:s16], [sflag:$0x1] =	stream.strided.gather @!p1 [hbm4b:s15+s17], $0x2000, s18, s17, $0x38;
	[tilespmem:$0x8080] =	vst v63  }
0x26: {  	p1 =	sge.u32 s31, s6  }
.Ltmp2:
0x27: {  	_ = 	snop;
	(pc) =	sbr.rel @p1 .LBB1_5-.Ltmp2, $1  }
0x28: {  	_ =	sdelay $0x3  }
0x29: {  	s15 =	simm.s32 $0x1  }
0x2a: {  	_ =	swait.ge [sflag:s5], $0x2000;
	s15 =	simm.s32 @!p0 $0x0  }
0x2b: {  	[sflag:s5] =	ssyncset.done $0x0;
	s16 =	sshll.u32 s15, $0xD  }
0x2c: {  	[sflag:s5] =	ssyncadd.s32 $0xFFFFE000;
	s19 =	sor.u32 $0x20, s16  }
0x2d: {  	s15 =	smul.u32 $0x8100, s15;
	v3 =	vld [tilespmem:s19+$0x10]  }
0x2e: {  	s30 =	sand.u32 $0x1, s12;
	v2 =	vld [tilespmem:s19+$0xFFFFFFF0]  }
0x2f: {  	s16 =	smul.u32 $0x8100, s30;
	s15 =	sshrl.u32 s15, $0x2;
	v0 =	vld [tilespmem:s19+$0x0]  }
0x30: {  	v1 =	vld [tilespmem:s19+$0xFFFFFFE0];
	s17 =	sor.u32 $0x4000, s15  }
0x31: {  	s31 =	sshrl.u32 s16, $0x2;
	s16 =	sadd.s32 $0x0, s17  }
0x32: {  	s18 =	simm.s32 $0x4;
	s19 =	sadd.s32 $0x40, s19;
	s15 =	sor.u32 $0x4000, s31;
	[tilespmem:s16+$0x1830 ss:$0x81] =	vst.msk $0xffff, v3  }
.LBB1_3:
0x33: {  	v3 =	vld [tilespmem:s19+$0x10];
	p1 =	sne.s32 s18, $0x1FC;
	[tilespmem:s16+$0x810 ss:$0x81] =	vst.msk $0xffff, v2;
	s20 =	smov.u32 s18;
	s18 =	sadd.s32 $0x4, s18  }
.Ltmp3:
0x34: {  	v2 =	vld [tilespmem:s19+$0xFFFFFFF0];
	[tilespmem:s16+$0x1020 ss:$0x81] =	vst.msk $0xffff, v0;
	(pc) =	sbr.rel @p1 .LBB1_3-.Ltmp3, $4  }
0x35: {  	v0 =	vld [tilespmem:s19+$0x0];
	[tilespmem:s16+$0x0 ss:$0x81] =	vst.msk $0xffff, v1  }
0x36: {  	s16 =	sshra.s32 s20, $0x2;
	v1 =	vld [tilespmem:s19+$0xFFFFFFE0]  }
0x37: {  	s16 =	sadd.s32 s16, s17  }
0x38: {  	s19 =	sadd.s32 $0x40, s19;
	[tilespmem:s16+$0x1830 ss:$0x81] =	vst.msk $0xffff, v3  }
.Ltmp4:
0x39: {  	_ = 	snop;
	(pc) =	sbr.rel .LBB1_4-.Ltmp4, $1  }
0x3a: {  	_ =	sdelay $0x3  }
.LBB1_6:
0x3b: {  	_ =	sfence.sel $0x180000  }
0x3c: {  	s2 =	simm.s32 $0x1;
	[bflag:$0x0] =	sbarrier.arrive $0xFFFF  }
0x3d: {  	s31 =	simm.s32 $0x2;
	[sflag:s2] =	ssyncpa.u1 $0x1  }
0x3e: {  	[sflag:s31] =	ssyncpa.u1 $0x1  }
0x3f: {  	p0 =	sne.s32 s0, $0x0;
	_ =	strace $0x90000047  }
0x40: {  	s0 =	sadd.s32 @!p0 $0x100000, s1;
	[bflag:$0x2] =	sbarrier.arrive $0xFFFF  }
0x41: {  	[sflag:s0] =	ssyncadd.tile.s32 @!p0 $0x1;
	_ =	shalt  }
.Lfunc_end1:
_tile_overlayer_lowered:
.L_overlay_start_2:
0x42: {  	(tag) =	ssettag $0x2  }
0x43: {  	s0 =	rddreg [dreg:$0x0];
	s2 =	stileid.u32  }
0x44: {  	s1 =	rddreg [dreg:$0x1];
	p0 =	sne.s32 s2, $0x0  }
0x45: {  	s3 =	rddreg [dreg:$0x2];
	[bflag:$0x3] =	sbarrier.arrive $0xFFFF;
	s2 =	simm.s32 @!p0 $0x1C01  }
0x46: {  	[timem:s3], [sflag:s2] =	dma.local @!p0 [hbm:s0], s1  }
0x47: {  	s0 =	simm.s32 @!p0 $0x1  }
0x48: {  	_ =	swait.ge @!p0 [sflag:s0], s1  }
0x49: {  	s1 =	ssub.s32 @!p0 $0x0, s1;
	[sflag:s0] =	ssyncset.done @!p0 $0x0  }
0x4a: {  	[sflag:s0] =	ssyncadd.s32 @!p0 s1  }
0x4b: {  	[bflag:$0x3] =	sbarrier.arrive $0xFFFF  }
0x4c: {  	_ =	shalt  }

</sc_bundles>
